<compile_context>
chip_gen: v7x
topology: tpu7x:2x2x1
jax: 0.10.2.dev20260603
libtpu: 0.0.44.dev20260713+nightly
codegen_flags: <defaults>
</compile_context>

<pallas_src>
import functools

import jax
import jax.numpy as jnp
from jax import lax
from jax.experimental import pallas as pl
from jax.experimental.pallas import tpu as pltpu
from jax.experimental.pallas import tpu_sc as plsc

N_TIME = 128
N_FREQ = 32
D_MODEL = 128
N_ERP = 128
N_TFR = N_TIME * N_FREQ
N_TOKENS = N_ERP + N_TFR
BATCH = 16

_NUM_WORKERS = 32
_ROWS_PER_WORKER = 136
_N_PAD = _NUM_WORKERS * _ROWS_PER_WORKER

_sc_mesh = plsc.VectorSubcoreMesh(core_axis_name="c", subcore_axis_name="s")


@functools.partial(
    pl.kernel,
    mesh=_sc_mesh,
    out_type=jax.ShapeDtypeStruct((_N_PAD, D_MODEL), jnp.float32),
    scratch_types=[
        pltpu.VMEM((N_TIME, D_MODEL), jnp.float32),
        pltpu.VMEM((N_FREQ + 1, D_MODEL), jnp.float32),
        pltpu.VMEM((2, D_MODEL), jnp.float32),
        pltpu.VMEM((_ROWS_PER_WORKER, D_MODEL), jnp.float32),
        pltpu.SemaphoreType.DMA,
    ],
)
def _pe_gather(time_hbm, freqx_hbm, type_hbm, pe_hbm,
               timev, freqv, typev, obuf, sem):
    n_cores = 2
    wid = lax.axis_index("s") * n_cores + lax.axis_index("c")
    base = wid * _ROWS_PER_WORKER

    handles = [
        pltpu.async_copy(time_hbm, timev, sem),
        pltpu.async_copy(freqx_hbm, freqv, sem),
        pltpu.async_copy(type_hbm, typev, sem),
    ]
    for h in handles:
        h.wait()

    def _row(r, carry):
        n = base + r
        k = n - N_ERP
        erp = n < N_ERP
        t = jnp.where(erp, n, jnp.minimum(k >> 5, N_TIME - 1))
        f = jnp.where(erp, N_FREQ, k & (N_FREQ - 1))
        ty = jnp.where(erp, 0, 1)
        for j in range(D_MODEL // 16):
            s = pl.ds(j * 16, 16)
            obuf[r, s] = timev[t, s] + freqv[f, s] + typev[ty, s]
        return carry

    lax.fori_loop(0, _ROWS_PER_WORKER, _row, 0)

    pltpu.sync_copy(obuf, pe_hbm.at[pl.ds(base, _ROWS_PER_WORKER)])


def _add_body(x_ref, pe_ref, out_ref):
    out_ref[0] = x_ref[0] + pe_ref[...]


def _tc_add(x, pe):
    return pl.pallas_call(
        _add_body,
        grid=(BATCH,),
        in_specs=[
            pl.BlockSpec((1, N_TOKENS, D_MODEL), lambda b: (b, 0, 0)),
            pl.BlockSpec((N_TOKENS, D_MODEL), lambda b: (0, 0)),
        ],
        out_specs=pl.BlockSpec((1, N_TOKENS, D_MODEL), lambda b: (b, 0, 0)),
        out_shape=jax.ShapeDtypeStruct((BATCH, N_TOKENS, D_MODEL), jnp.float32),
    )(x, pe)


def kernel(x, time_emb, freq_emb, type_emb):
    freq_ext = jnp.concatenate(
        [freq_emb, jnp.zeros((1, D_MODEL), jnp.float32)], axis=0
    )
    pe = _pe_gather(time_emb, freq_ext, type_emb)
    return _tc_add(x, pe)

# --- scband reference (transcript-rebuilt; emitter-appended) ---
"""Pipeline reference for scband-hybrid-positional-encoding-1168231104573 (READ-ONLY COPY).

The authoritative reference and input builder live on the scoring server;
editing this copy changes nothing except your own understanding.
"""

import jax, jax.numpy as jnp
import numpy as np

N_TIME = 128
N_FREQ = 32
D_MODEL = 128
N_ERP = 128
N_TFR = N_TIME * N_FREQ
N_TOKENS = N_ERP + N_TFR

def _make_indices():
    time_idx = np.zeros((N_TOKENS,), dtype=np.int32)
    freq_idx = np.zeros((N_TOKENS,), dtype=np.int32)
    type_idx = np.zeros((N_TOKENS,), dtype=np.int32)
    time_idx[:N_ERP] = np.arange(N_ERP, dtype=np.int32)
    k = np.arange(N_TFR, dtype=np.int32)
    time_idx[N_ERP:] = k // N_FREQ
    freq_idx[N_ERP:] = k % N_FREQ
    type_idx[N_ERP:] = 1
    return (jnp.asarray(time_idx, dtype=jnp.int32),
            jnp.asarray(freq_idx, dtype=jnp.int32),
            jnp.asarray(type_idx, dtype=jnp.int32))

TIME_IDX, FREQ_IDX, TYPE_IDX = _make_indices()

def setup_inputs(seed: int = 0) -> dict:
    key = jax.random.key(seed)
    kx, kt, kf, kty = jax.random.split(key, 4)
    x = jax.random.normal(kx, (16, N_TOKENS, D_MODEL), dtype=jnp.float32)
    # keras 'random_normal' initializer uses stddev=0.05
    time_emb = jax.random.normal(kt, (N_TIME, D_MODEL), dtype=jnp.float32) * 0.05
    freq_emb = jax.random.normal(kf, (N_FREQ, D_MODEL), dtype=jnp.float32) * 0.05
    type_emb = jax.random.normal(kty, (2, D_MODEL), dtype=jnp.float32) * 0.05
    return {"x": x, "time_emb": time_emb, "freq_emb": freq_emb, "type_emb": type_emb}

def reference(x, time_emb, freq_emb, type_emb):
    t = jnp.take(time_emb, TIME_IDX, axis=0)
    typ = jnp.take(type_emb, TYPE_IDX, axis=0)
    f = jnp.take(freq_emb, FREQ_IDX, axis=0)
    is_tfr = (TYPE_IDX == 1).astype(jnp.float32)[:, None]
    pe = t + typ + is_tfr * f
    return x + pe[None, :, :]

if __name__ == "__main__":
    import jax
    _d = setup_inputs()
    print(jax.jit(kernel)(*tuple(_d.values())))

</pallas_src>

<mosaic_0001>
#map = affine_map<(d0, d1) -> (0, 0)>
module attributes {stable_mosaic.version = 14 : i64} {
  func.func @_pe_gather(%arg0: i32, %arg1: i32, %arg2: memref<128x128xf32, #tpu.memory_space<hbm>>, %arg3: memref<33x128xf32, #tpu.memory_space<hbm>>, %arg4: memref<2x128xf32, #tpu.memory_space<hbm>>, %arg5: memref<4352x128xf32, #tpu.memory_space<hbm>>, %arg6: memref<128x128xf32, #tpu.memory_space<vmem>>, %arg7: memref<33x128xf32, #tpu.memory_space<vmem>>, %arg8: memref<2x128xf32, #tpu.memory_space<vmem>>, %arg9: memref<136x128xf32, #tpu.memory_space<vmem>>, %arg10: memref<!tpu.dma_semaphore, #tpu.memory_space<semaphore_mem>>) attributes {dimension_semantics = [#tpu.dimension_semantics<core_parallel>, #tpu.dimension_semantics<subcore_parallel>], iteration_bounds = array<i64: 2, 16>, scalar_prefetch = 0 : i64, scratch_operands = 5 : i64, tpu.core_type = #tpu.core_type<sc_vector_subcore>, window_params = [{transform_indices = #map}, {transform_indices = #map}, {transform_indices = #map}, {transform_indices = #map}]} {
    %mul3A = arith.constant 2 : i32
    %mul3A_0 = arith.muli %arg1, %mul3A : i32
    %add3A = arith.addi %mul3A_0, %arg0 : i32
    %mul3A_1 = arith.constant 136 : i32
    %mul3A_2 = arith.muli %add3A, %mul3A_1 : i32
    tpu.enqueue_dma source(%arg2 : memref<128x128xf32, #tpu.memory_space<hbm>>) target(%arg6 : memref<128x128xf32, #tpu.memory_space<vmem>>) target_semaphore(%arg10 : memref<!tpu.dma_semaphore, #tpu.memory_space<semaphore_mem>>)
    tpu.enqueue_dma source(%arg3 : memref<33x128xf32, #tpu.memory_space<hbm>>) target(%arg7 : memref<33x128xf32, #tpu.memory_space<vmem>>) target_semaphore(%arg10 : memref<!tpu.dma_semaphore, #tpu.memory_space<semaphore_mem>>)
    tpu.enqueue_dma source(%arg4 : memref<2x128xf32, #tpu.memory_space<hbm>>) target(%arg8 : memref<2x128xf32, #tpu.memory_space<vmem>>) target_semaphore(%arg10 : memref<!tpu.dma_semaphore, #tpu.memory_space<semaphore_mem>>)
    tpu.wait_dma2 semaphore(%arg10 : memref<!tpu.dma_semaphore, #tpu.memory_space<semaphore_mem>>) src(%arg2 : memref<128x128xf32, #tpu.memory_space<hbm>>) dst(%arg6 : memref<128x128xf32, #tpu.memory_space<vmem>>)
    tpu.wait_dma2 semaphore(%arg10 : memref<!tpu.dma_semaphore, #tpu.memory_space<semaphore_mem>>) src(%arg3 : memref<33x128xf32, #tpu.memory_space<hbm>>) dst(%arg7 : memref<33x128xf32, #tpu.memory_space<vmem>>)
    tpu.wait_dma2 semaphore(%arg10 : memref<!tpu.dma_semaphore, #tpu.memory_space<semaphore_mem>>) src(%arg4 : memref<2x128xf32, #tpu.memory_space<hbm>>) dst(%arg8 : memref<2x128xf32, #tpu.memory_space<vmem>>)
    %scan3A = arith.constant 0 : i32
    %scan3A_3 = arith.constant 0 : i32
    %scan3A_4 = arith.constant 136 : i32
    %scan3A_5 = arith.addi %scan3A_3, %scan3A_4 : i32
    %scan3A_6 = arith.constant 1 : i32
    scf.for %scan3A_8 = %scan3A_3 to %scan3A_5 step %scan3A_6  : i32 {
      %add3A_9 = arith.addi %mul3A_2, %scan3A_8 : i32
      %sub3A = arith.constant 128 : i32
      %sub3A_10 = arith.subi %add3A_9, %sub3A : i32
      %lt3A = arith.constant 128 : i32
      %lt3A_11 = arith.cmpi slt, %add3A_9, %lt3A : i32
      %shift_right_arithmetic3A = arith.constant 5 : i32
      %shift_right_arithmetic3A_12 = arith.shrsi %sub3A_10, %shift_right_arithmetic3A : i32
      %min3A = arith.constant 127 : i32
      %min3A_13 = arith.minsi %shift_right_arithmetic3A_12, %min3A : i32
      %select_n3A = arith.select %lt3A_11, %add3A_9, %min3A_13 : i32
      %and3A = arith.constant 31 : i32
      %and3A_14 = arith.andi %sub3A_10, %and3A : i32
      %jit3A = arith.constant 32 : i32
      %select_n3A_15 = arith.select %lt3A_11, %jit3A, %and3A_14 : i32
      %jit3A_16 = arith.constant 0 : i32
      %jit3A_17 = arith.constant 1 : i32
      %select_n3A_18 = arith.select %lt3A_11, %jit3A_16, %jit3A_17 : i32
      %get3A = arith.index_cast %select_n3A : i32 to index
      %get3A_19 = arith.constant 0 : index
      %get3A_20 = tpu.vector_load %arg6[%get3A, %get3A_19] {strides = array<i32>} : memref<128x128xf32, #tpu.memory_space<vmem>>, vector<1x16xf32>,
      %get3A_21 = vector.shape_cast %get3A_20 : vector<1x16xf32> to vector<16xf32>
      %get3A_22 = arith.index_cast %select_n3A_15 : i32 to index
      %get3A_23 = arith.constant 0 : index
      %get3A_24 = tpu.vector_load %arg7[%get3A_22, %get3A_23] {strides = array<i32>} : memref<33x128xf32, #tpu.memory_space<vmem>>, vector<1x16xf32>,
      %get3A_25 = vector.shape_cast %get3A_24 : vector<1x16xf32> to vector<16xf32>
      %add3A_26 = arith.addf %get3A_21, %get3A_25 : vector<16xf32>
      %get3A_27 = arith.index_cast %select_n3A_18 : i32 to index
      %get3A_28 = arith.constant 0 : index
      %get3A_29 = tpu.vector_load %arg8[%get3A_27, %get3A_28] {strides = array<i32>} : memref<2x128xf32, #tpu.memory_space<vmem>>, vector<1x16xf32>,
      %get3A_30 = vector.shape_cast %get3A_29 : vector<1x16xf32> to vector<16xf32>
      %add3A_31 = arith.addf %add3A_26, %get3A_30 : vector<16xf32>
      %swap3A = arith.index_cast %scan3A_8 : i32 to index
      %swap3A_32 = arith.constant 0 : index
      %swap3A_33 = tpu.vector_load %arg9[%swap3A, %swap3A_32] {strides = array<i32>} : memref<136x128xf32, #tpu.memory_space<vmem>>, vector<1x16xf32>,
      %swap3A_34 = vector.shape_cast %swap3A_33 : vector<1x16xf32> to vector<16xf32>
      %swap3A_35 = vector.shape_cast %add3A_31 : vector<16xf32> to vector<1x16xf32>
      tpu.vector_store %arg9[%swap3A, %swap3A_32], %swap3A_35 {strides = array<i32>} : memref<136x128xf32, #tpu.memory_space<vmem>>, vector<1x16xf32>,
      %get3A_36 = arith.index_cast %select_n3A : i32 to index
      %get3A_37 = arith.constant 16 : index
      %get3A_38 = tpu.vector_load %arg6[%get3A_36, %get3A_37] {strides = array<i32>} : memref<128x128xf32, #tpu.memory_space<vmem>>, vector<1x16xf32>,
      %get3A_39 = vector.shape_cast %get3A_38 : vector<1x16xf32> to vector<16xf32>
      %get3A_40 = arith.index_cast %select_n3A_15 : i32 to index
      %get3A_41 = arith.constant 16 : index
      %get3A_42 = tpu.vector_load %arg7[%get3A_40, %get3A_41] {strides = array<i32>} : memref<33x128xf32, #tpu.memory_space<vmem>>, vector<1x16xf32>,
      %get3A_43 = vector.shape_cast %get3A_42 : vector<1x16xf32> to vector<16xf32>
      %add3A_44 = arith.addf %get3A_39, %get3A_43 : vector<16xf32>
      %get3A_45 = arith.index_cast %select_n3A_18 : i32 to index
      %get3A_46 = arith.constant 16 : index
      %get3A_47 = tpu.vector_load %arg8[%get3A_45, %get3A_46] {strides = array<i32>} : memref<2x128xf32, #tpu.memory_space<vmem>>, vector<1x16xf32>,
      %get3A_48 = vector.shape_cast %get3A_47 : vector<1x16xf32> to vector<16xf32>
      %add3A_49 = arith.addf %add3A_44, %get3A_48 : vector<16xf32>
      %swap3A_50 = arith.index_cast %scan3A_8 : i32 to index
      %swap3A_51 = arith.constant 16 : index
      %swap3A_52 = tpu.vector_load %arg9[%swap3A_50, %swap3A_51] {strides = array<i32>} : memref<136x128xf32, #tpu.memory_space<vmem>>, vector<1x16xf32>,
      %swap3A_53 = vector.shape_cast %swap3A_52 : vector<1x16xf32> to vector<16xf32>
      %swap3A_54 = vector.shape_cast %add3A_49 : vector<16xf32> to vector<1x16xf32>
      tpu.vector_store %arg9[%swap3A_50, %swap3A_51], %swap3A_54 {strides = array<i32>} : memref<136x128xf32, #tpu.memory_space<vmem>>, vector<1x16xf32>,
      %get3A_55 = arith.index_cast %select_n3A : i32 to index
      %get3A_56 = arith.constant 32 : index
      %get3A_57 = tpu.vector_load %arg6[%get3A_55, %get3A_56] {strides = array<i32>} : memref<128x128xf32, #tpu.memory_space<vmem>>, vector<1x16xf32>,
      %get3A_58 = vector.shape_cast %get3A_57 : vector<1x16xf32> to vector<16xf32>
      %get3A_59 = arith.index_cast %select_n3A_15 : i32 to index
      %get3A_60 = arith.constant 32 : index
      %get3A_61 = tpu.vector_load %arg7[%get3A_59, %get3A_60] {strides = array<i32>} : memref<33x128xf32, #tpu.memory_space<vmem>>, vector<1x16xf32>,
      %get3A_62 = vector.shape_cast %get3A_61 : vector<1x16xf32> to vector<16xf32>
      %add3A_63 = arith.addf %get3A_58, %get3A_62 : vector<16xf32>
      %get3A_64 = arith.index_cast %select_n3A_18 : i32 to index
      %get3A_65 = arith.constant 32 : index
      %get3A_66 = tpu.vector_load %arg8[%get3A_64, %get3A_65] {strides = array<i32>} : memref<2x128xf32, #tpu.memory_space<vmem>>, vector<1x16xf32>,
      %get3A_67 = vector.shape_cast %get3A_66 : vector<1x16xf32> to vector<16xf32>
      %add3A_68 = arith.addf %add3A_63, %get3A_67 : vector<16xf32>
      %swap3A_69 = arith.index_cast %scan3A_8 : i32 to index
      %swap3A_70 = arith.constant 32 : index
      %swap3A_71 = tpu.vector_load %arg9[%swap3A_69, %swap3A_70] {strides = array<i32>} : memref<136x128xf32, #tpu.memory_space<vmem>>, vector<1x16xf32>,
      %swap3A_72 = vector.shape_cast %swap3A_71 : vector<1x16xf32> to vector<16xf32>
      %swap3A_73 = vector.shape_cast %add3A_68 : vector<16xf32> to vector<1x16xf32>
      tpu.vector_store %arg9[%swap3A_69, %swap3A_70], %swap3A_73 {strides = array<i32>} : memref<136x128xf32, #tpu.memory_space<vmem>>, vector<1x16xf32>,
      %get3A_74 = arith.index_cast %select_n3A : i32 to index
      %get3A_75 = arith.constant 48 : index
      %get3A_76 = tpu.vector_load %arg6[%get3A_74, %get3A_75] {strides = array<i32>} : memref<128x128xf32, #tpu.memory_space<vmem>>, vector<1x16xf32>,
      %get3A_77 = vector.shape_cast %get3A_76 : vector<1x16xf32> to vector<16xf32>
      %get3A_78 = arith.index_cast %select_n3A_15 : i32 to index
      %get3A_79 = arith.constant 48 : index
      %get3A_80 = tpu.vector_load %arg7[%get3A_78, %get3A_79] {strides = array<i32>} : memref<33x128xf32, #tpu.memory_space<vmem>>, vector<1x16xf32>,
      %get3A_81 = vector.shape_cast %get3A_80 : vector<1x16xf32> to vector<16xf32>
      %add3A_82 = arith.addf %get3A_77, %get3A_81 : vector<16xf32>
      %get3A_83 = arith.index_cast %select_n3A_18 : i32 to index
      %get3A_84 = arith.constant 48 : index
      %get3A_85 = tpu.vector_load %arg8[%get3A_83, %get3A_84] {strides = array<i32>} : memref<2x128xf32, #tpu.memory_space<vmem>>, vector<1x16xf32>,
      %get3A_86 = vector.shape_cast %get3A_85 : vector<1x16xf32> to vector<16xf32>
      %add3A_87 = arith.addf %add3A_82, %get3A_86 : vector<16xf32>
      %swap3A_88 = arith.index_cast %scan3A_8 : i32 to index
      %swap3A_89 = arith.constant 48 : index
      %swap3A_90 = tpu.vector_load %arg9[%swap3A_88, %swap3A_89] {strides = array<i32>} : memref<136x128xf32, #tpu.memory_space<vmem>>, vector<1x16xf32>,
      %swap3A_91 = vector.shape_cast %swap3A_90 : vector<1x16xf32> to vector<16xf32>
      %swap3A_92 = vector.shape_cast %add3A_87 : vector<16xf32> to vector<1x16xf32>
      tpu.vector_store %arg9[%swap3A_88, %swap3A_89], %swap3A_92 {strides = array<i32>} : memref<136x128xf32, #tpu.memory_space<vmem>>, vector<1x16xf32>,
      %get3A_93 = arith.index_cast %select_n3A : i32 to index
      %get3A_94 = arith.constant 64 : index
      %get3A_95 = tpu.vector_load %arg6[%get3A_93, %get3A_94] {strides = array<i32>} : memref<128x128xf32, #tpu.memory_space<vmem>>, vector<1x16xf32>,
      %get3A_96 = vector.shape_cast %get3A_95 : vector<1x16xf32> to vector<16xf32>
      %get3A_97 = arith.index_cast %select_n3A_15 : i32 to index
      %get3A_98 = arith.constant 64 : index
      %get3A_99 = tpu.vector_load %arg7[%get3A_97, %get3A_98] {strides = array<i32>} : memref<33x128xf32, #tpu.memory_space<vmem>>, vector<1x16xf32>,
      %get3A_100 = vector.shape_cast %get3A_99 : vector<1x16xf32> to vector<16xf32>
      %add3A_101 = arith.addf %get3A_96, %get3A_100 : vector<16xf32>
      %get3A_102 = arith.index_cast %select_n3A_18 : i32 to index
      %get3A_103 = arith.constant 64 : index
      %get3A_104 = tpu.vector_load %arg8[%get3A_102, %get3A_103] {strides = array<i32>} : memref<2x128xf32, #tpu.memory_space<vmem>>, vector<1x16xf32>,
      %get3A_105 = vector.shape_cast %get3A_104 : vector<1x16xf32> to vector<16xf32>
      %add3A_106 = arith.addf %add3A_101, %get3A_105 : vector<16xf32>
      %swap3A_107 = arith.index_cast %scan3A_8 : i32 to index
      %swap3A_108 = arith.constant 64 : index
      %swap3A_109 = tpu.vector_load %arg9[%swap3A_107, %swap3A_108] {strides = array<i32>} : memref<136x128xf32, #tpu.memory_space<vmem>>, vector<1x16xf32>,
      %swap3A_110 = vector.shape_cast %swap3A_109 : vector<1x16xf32> to vector<16xf32>
      %swap3A_111 = vector.shape_cast %add3A_106 : vector<16xf32> to vector<1x16xf32>
      tpu.vector_store %arg9[%swap3A_107, %swap3A_108], %swap3A_111 {strides = array<i32>} : memref<136x128xf32, #tpu.memory_space<vmem>>, vector<1x16xf32>,
      %get3A_112 = arith.index_cast %select_n3A : i32 to index
      %get3A_113 = arith.constant 80 : index
      %get3A_114 = tpu.vector_load %arg6[%get3A_112, %get3A_113] {strides = array<i32>} : memref<128x128xf32, #tpu.memory_space<vmem>>, vector<1x16xf32>,
      %get3A_115 = vector.shape_cast %get3A_114 : vector<1x16xf32> to vector<16xf32>
      %get3A_116 = arith.index_cast %select_n3A_15 : i32 to index
      %get3A_117 = arith.constant 80 : index
      %get3A_118 = tpu.vector_load %arg7[%get3A_116, %get3A_117] {strides = array<i32>} : memref<33x128xf32, #tpu.memory_space<vmem>>, vector<1x16xf32>,
      %get3A_119 = vector.shape_cast %get3A_118 : vector<1x16xf32> to vector<16xf32>
      %add3A_120 = arith.addf %get3A_115, %get3A_119 : vector<16xf32>
      %get3A_121 = arith.index_cast %select_n3A_18 : i32 to index
      %get3A_122 = arith.constant 80 : index
      %get3A_123 = tpu.vector_load %arg8[%get3A_121, %get3A_122] {strides = array<i32>} : memref<2x128xf32, #tpu.memory_space<vmem>>, vector<1x16xf32>,
      %get3A_124 = vector.shape_cast %get3A_123 : vector<1x16xf32> to vector<16xf32>
      %add3A_125 = arith.addf %add3A_120, %get3A_124 : vector<16xf32>
      %swap3A_126 = arith.index_cast %scan3A_8 : i32 to index
      %swap3A_127 = arith.constant 80 : index
      %swap3A_128 = tpu.vector_load %arg9[%swap3A_126, %swap3A_127] {strides = array<i32>} : memref<136x128xf32, #tpu.memory_space<vmem>>, vector<1x16xf32>,
      %swap3A_129 = vector.shape_cast %swap3A_128 : vector<1x16xf32> to vector<16xf32>
      %swap3A_130 = vector.shape_cast %add3A_125 : vector<16xf32> to vector<1x16xf32>
      tpu.vector_store %arg9[%swap3A_126, %swap3A_127], %swap3A_130 {strides = array<i32>} : memref<136x128xf32, #tpu.memory_space<vmem>>, vector<1x16xf32>,
      %get3A_131 = arith.index_cast %select_n3A : i32 to index
      %get3A_132 = arith.constant 96 : index
      %get3A_133 = tpu.vector_load %arg6[%get3A_131, %get3A_132] {strides = array<i32>} : memref<128x128xf32, #tpu.memory_space<vmem>>, vector<1x16xf32>,
      %get3A_134 = vector.shape_cast %get3A_133 : vector<1x16xf32> to vector<16xf32>
      %get3A_135 = arith.index_cast %select_n3A_15 : i32 to index
      %get3A_136 = arith.constant 96 : index
      %get3A_137 = tpu.vector_load %arg7[%get3A_135, %get3A_136] {strides = array<i32>} : memref<33x128xf32, #tpu.memory_space<vmem>>, vector<1x16xf32>,
      %get3A_138 = vector.shape_cast %get3A_137 : vector<1x16xf32> to vector<16xf32>
      %add3A_139 = arith.addf %get3A_134, %get3A_138 : vector<16xf32>
      %get3A_140 = arith.index_cast %select_n3A_18 : i32 to index
      %get3A_141 = arith.constant 96 : index
      %get3A_142 = tpu.vector_load %arg8[%get3A_140, %get3A_141] {strides = array<i32>} : memref<2x128xf32, #tpu.memory_space<vmem>>, vector<1x16xf32>,
      %get3A_143 = vector.shape_cast %get3A_142 : vector<1x16xf32> to vector<16xf32>
      %add3A_144 = arith.addf %add3A_139, %get3A_143 : vector<16xf32>
      %swap3A_145 = arith.index_cast %scan3A_8 : i32 to index
      %swap3A_146 = arith.constant 96 : index
      %swap3A_147 = tpu.vector_load %arg9[%swap3A_145, %swap3A_146] {strides = array<i32>} : memref<136x128xf32, #tpu.memory_space<vmem>>, vector<1x16xf32>,
      %swap3A_148 = vector.shape_cast %swap3A_147 : vector<1x16xf32> to vector<16xf32>
      %swap3A_149 = vector.shape_cast %add3A_144 : vector<16xf32> to vector<1x16xf32>
      tpu.vector_store %arg9[%swap3A_145, %swap3A_146], %swap3A_149 {strides = array<i32>} : memref<136x128xf32, #tpu.memory_space<vmem>>, vector<1x16xf32>,
      %get3A_150 = arith.index_cast %select_n3A : i32 to index
      %get3A_151 = arith.constant 112 : index
      %get3A_152 = tpu.vector_load %arg6[%get3A_150, %get3A_151] {strides = array<i32>} : memref<128x128xf32, #tpu.memory_space<vmem>>, vector<1x16xf32>,
      %get3A_153 = vector.shape_cast %get3A_152 : vector<1x16xf32> to vector<16xf32>
      %get3A_154 = arith.index_cast %select_n3A_15 : i32 to index
      %get3A_155 = arith.constant 112 : index
      %get3A_156 = tpu.vector_load %arg7[%get3A_154, %get3A_155] {strides = array<i32>} : memref<33x128xf32, #tpu.memory_space<vmem>>, vector<1x16xf32>,
      %get3A_157 = vector.shape_cast %get3A_156 : vector<1x16xf32> to vector<16xf32>
      %add3A_158 = arith.addf %get3A_153, %get3A_157 : vector<16xf32>
      %get3A_159 = arith.index_cast %select_n3A_18 : i32 to index
      %get3A_160 = arith.constant 112 : index
      %get3A_161 = tpu.vector_load %arg8[%get3A_159, %get3A_160] {strides = array<i32>} : memref<2x128xf32, #tpu.memory_space<vmem>>, vector<1x16xf32>,
      %get3A_162 = vector.shape_cast %get3A_161 : vector<1x16xf32> to vector<16xf32>
      %add3A_163 = arith.addf %add3A_158, %get3A_162 : vector<16xf32>
      %swap3A_164 = arith.index_cast %scan3A_8 : i32 to index
      %swap3A_165 = arith.constant 112 : index
      %swap3A_166 = tpu.vector_load %arg9[%swap3A_164, %swap3A_165] {strides = array<i32>} : memref<136x128xf32, #tpu.memory_space<vmem>>, vector<1x16xf32>,
      %swap3A_167 = vector.shape_cast %swap3A_166 : vector<1x16xf32> to vector<16xf32>
      %swap3A_168 = vector.shape_cast %add3A_163 : vector<16xf32> to vector<1x16xf32>
      tpu.vector_store %arg9[%swap3A_164, %swap3A_165], %swap3A_168 {strides = array<i32>} : memref<136x128xf32, #tpu.memory_space<vmem>>, vector<1x16xf32>,
    }
    %scan3A_7 = arith.constant 136 : i32
    "tpu.region"() ({
      %run_scoped3A = tpu.sem_alloc : memref<!tpu.dma_semaphore, #tpu.memory_space<semaphore_mem>>
      %dma_start3A = arith.constant 0 : i32
      %dma_start3A_8 = tpu.memref_slice %arg5[%mul3A_2, %dma_start3A] : memref<4352x128xf32, #tpu.memory_space<hbm>> -> memref<136x128xf32, #tpu.memory_space<hbm>>
      %dma_start3A_9 = arith.constant 0 : i32
      %dma_start3A_10 = tpu.memref_slice %arg5[%mul3A_2, %dma_start3A_9] : memref<4352x128xf32, #tpu.memory_space<hbm>> -> memref<136x128xf32, #tpu.memory_space<hbm>>
      tpu.enqueue_dma source(%arg9 : memref<136x128xf32, #tpu.memory_space<vmem>>) target(%dma_start3A_10 : memref<136x128xf32, #tpu.memory_space<hbm>>) target_semaphore(%run_scoped3A : memref<!tpu.dma_semaphore, #tpu.memory_space<semaphore_mem>>)
      %dma_wait3A = arith.constant 0 : i32
      %dma_wait3A_11 = tpu.memref_slice %arg5[%mul3A_2, %dma_wait3A] : memref<4352x128xf32, #tpu.memory_space<hbm>> -> memref<136x128xf32, #tpu.memory_space<hbm>>
      %dma_wait3A_12 = arith.constant 0 : i32
      %dma_wait3A_13 = tpu.memref_slice %arg5[%mul3A_2, %dma_wait3A_12] : memref<4352x128xf32, #tpu.memory_space<hbm>> -> memref<136x128xf32, #tpu.memory_space<hbm>>
      tpu.wait_dma2 semaphore(%run_scoped3A : memref<!tpu.dma_semaphore, #tpu.memory_space<semaphore_mem>>) src(%arg9 : memref<136x128xf32, #tpu.memory_space<vmem>>) dst(%dma_wait3A_13 : memref<136x128xf32, #tpu.memory_space<hbm>>)
      tpu.yield
    }) : () -> ()
    return
  }
}

module attributes {stable_mosaic.version = 14 : i64} {
  func.func @_add_body(%arg0: i32, %arg1: memref<1x4224x128xf32, #tpu.memory_space<vmem>>, %arg2: memref<4224x128xf32, #tpu.memory_space<vmem>>, %arg3: memref<1x4224x128xf32, #tpu.memory_space<vmem>>) attributes {dimension_semantics = [#tpu.dimension_semantics<arbitrary>], iteration_bounds = array<i64: 16>, scalar_prefetch = 0 : i64, scratch_operands = 0 : i64, tpu.core_type = #tpu.core_type<tc>, window_params = [{transform_indices = @transform_0, window_bounds = array<i64: 1, 4224, 128>}, {transform_indices = @transform_1, window_bounds = array<i64: 4224, 128>}, {transform_indices = @transform_2, window_bounds = array<i64: 1, 4224, 128>}]} {
    %get3A = arith.constant 0 : index
    %get3A_0 = arith.constant 0 : index
    %get3A_1 = arith.constant 0 : index
    %get3A_2 = vector.load %arg1[%get3A, %get3A_0, %get3A_1] : memref<1x4224x128xf32, #tpu.memory_space<vmem>>, vector<1x4224x128xf32>
    %get3A_3 = vector.shape_cast %get3A_2 : vector<1x4224x128xf32> to vector<4224x128xf32>
    %get3A_4 = arith.constant 0 : index
    %get3A_5 = arith.constant 0 : index
    %get3A_6 = vector.load %arg2[%get3A_4, %get3A_5] : memref<4224x128xf32, #tpu.memory_space<vmem>>, vector<4224x128xf32>
    %add3A = arith.addf %get3A_3, %get3A_6 : vector<4224x128xf32>
    %swap3A = arith.constant 0 : index
    %swap3A_7 = arith.constant 0 : index
    %swap3A_8 = arith.constant 0 : index
    %swap3A_9 = vector.load %arg3[%swap3A, %swap3A_7, %swap3A_8] : memref<1x4224x128xf32, #tpu.memory_space<vmem>>, vector<1x4224x128xf32>
    %swap3A_10 = vector.shape_cast %swap3A_9 : vector<1x4224x128xf32> to vector<4224x128xf32>
    %swap3A_11 = vector.shape_cast %add3A : vector<4224x128xf32> to vector<1x4224x128xf32>
    tpu.vector_store %arg3[%swap3A, %swap3A_7, %swap3A_8], %swap3A_11 {strides = array<i32>} : memref<1x4224x128xf32, #tpu.memory_space<vmem>>, vector<1x4224x128xf32>,
    return
  }
  func.func @transform_0(%arg0: i32) -> (i32, i32, i32) {
    %c0_i32 = arith.constant 0 : i32
    %c0_i32_0 = arith.constant 0 : i32
    %c0_i32_1 = arith.constant 0 : i32
    return %arg0, %c0_i32, %c0_i32_0 : i32, i32, i32
  }
  func.func @transform_1(%arg0: i32) -> (i32, i32) {
    %c0_i32 = arith.constant 0 : i32
    %c0_i32_0 = arith.constant 0 : i32
    %c0_i32_1 = arith.constant 0 : i32
    return %c0_i32, %c0_i32_0 : i32, i32
  }
  func.func @transform_2(%arg0: i32) -> (i32, i32, i32) {
    %c0_i32 = arith.constant 0 : i32
    %c0_i32_0 = arith.constant 0 : i32
    %c0_i32_1 = arith.constant 0 : i32
    return %arg0, %c0_i32, %c0_i32_0 : i32, i32, i32
  }
}

</mosaic_0001>

<sc_bundles>
// kernel: kernel.4.cloned.1.call-start
scs
__scs_entry_jumppad:
0x0: {  	(pc) =	sbr.rel $0x88, $3  }
0x1: {  	(tag) =	ssettag $0x0;
	lr =	simm.s32 $0x1  }
0x2: {  	[smem:$0x3F9D] =	sst lr;
	_ =	strace $0xD0000000  }
0x3: {  	_ = 	snop  }
0x4: {  	_ = 	snop  }
0x5: {  	_ = 	snop  }
0x6: {  	_ = 	snop  }
0x7: {  	_ = 	snop  }
__scs_overlays_trampoline_lowered:
0x8: {  	[smem:$0x3FAC] =	sst s0  }
0x9: {  	[smem:$0x3FAD] =	sst s1  }
0xa: {  	[smem:$0x3FAE] =	sst s2  }
0xb: {  	[smem:$0x3FAF] =	sst s3  }
0xc: {  	[smem:$0x3FB0] =	sst s4  }
0xd: {  	[smem:$0x3FB1] =	sst s5  }
0xe: {  	[smem:$0x3FB2] =	sst s6  }
0xf: {  	[smem:$0x3FB3] =	sst s7  }
0x10: {  	[smem:$0x3FB4] =	sst s8  }
0x11: {  	[smem:$0x3FB5] =	sst s9;
	s0 =	simm.s32 @!p0 $0x0  }
0x12: {  	s1 =	sld [smem:$0x3F9B];
	s0 =	simm.s32 @p0 $0x1  }
0x13: {  	[smem:$0x3FB6] =	sst s0;
	s0 =	simm.s32 @!p1 $0x0  }
0x14: {  	s2 =	sld [smem:$0x3F9A];
	s0 =	simm.s32 @p1 $0x1  }
0x15: {  	[smem:$0x3FB7] =	sst s0;
	s0 =	simm.s32 @!p2 $0x0  }
0x16: {  	s3 =	sld [smem:$0x3FDB];
	s0 =	simm.s32 @p2 $0x1  }
0x17: {  	s4 =	simm.s32 $0x1BF5;
	[smem:$0x3FB9] =	sst s0  }
0x18: {  	s0 =	sld [smem:$0x3F9C];
	_ =	swait.ge [sflag:s4], $0x0  }
0x19: {  	s7 =	sld [smem:$0x3F9D]  }
0x1a: {  	s8 =	sadd.s32 $0xFFFFE003, lr  }
0x1b: {  	s9 =	sadd.s32 $0xFFFFFEF7, lr;
	s5 =	simm.s32 $0xFFFFFFFF;
	p2 =	slt.u32 s8, $0xFFFFF086  }
0x1c: {  	p1 =	slt.u32 s9, $0xF7A;
	s5 =	simm.s32 @!p2 $0x0  }
0x1d: {  	s5 =	simm.s32 @p1 $0x1;
	p0 =	seq.s32 s7, s2  }
0x1e: {  	s7 =	smul.u32 @!p0 $0xF7A, s2;
	p2 =	seq.s32 @!p0 s5, $0x0  }
0x1f: {  	s9 =	smul.u32 $0xF7A, s1;
	s8 =	simm.s32 @!p0 $0x1BF5;
	p2 =	por !p2, p0  }
0x20: {  	[sflag:s8] =	ssyncset.s32 @!p0 $0xFFFFF086;
	s6 =	sadd.s32 @!p0 s3, s7;
	s7 =	simm.s32 @!p0 $0x108  }
0x21: {  	s3 =	sadd.s32 s3, s9;
	s6 =	sadd.s32 @!p0 $0x88, s6;
	s7 =	simm.s32 @p2 $0x1082  }
0x22: {  	[simem:s7], [sflag:s8] =	dma.local @!p0 [hbm:s6], $0xF7A  }
0x23: {  	s9 =	sor.u32 $0xD0000000, s2;
	s6 =	simm.s32 $0x108;
	_ =	swait.ge @!p0 [sflag:s8], $0x0  }
0x24: {  	s3 =	sadd.s32 $0x88, s3;
	s6 =	simm.s32 @!p1 $0x1082;
	[sflag:s4] =	ssyncset.s32 $0xFFFFF086  }
0x25: {  	[simem:s6], [sflag:s4] =	dma.local [hbm:s3], $0xF7A  }
0x26: {  	[smem:$0x3F9D] =	sst s1;
	(tag) =	ssettag s2;
	_ =	strace s9  }
0x27: {  	s1 =	sld [smem:$0x3FAD]  }
0x28: {  	s2 =	sld [smem:$0x3FAE]  }
0x29: {  	s4 =	sld [smem:$0x3FB0]  }
0x2a: {  	p0 =	seq.s32 s5, $0x0;
	s5 =	sld [smem:$0x3FB1]  }
0x2b: {  	s6 =	sld [smem:$0x3FB2]  }
0x2c: {  	s7 =	sld [smem:$0x3FB3]  }
0x2d: {  	s3 =	simm.s32 $0x108;
	s8 =	sld [smem:$0x3FB4]  }
0x2e: {  	s3 =	simm.s32 @!p0 $0x1082;
	s9 =	sld [smem:$0x3FB5]  }
0x2f: {  	lr =	sadd.s32 s0, s3;
	s0 =	sld [smem:$0x3FAC]  }
0x30: {  	s3 =	sld [smem:$0x3FAF]  }
0x31: {  	[smem:$0x3FB8] =	sst s10  }
0x32: {  	s10 =	sld [smem:$0x3FB6];
	_ =	sdelay $0x3  }
0x33: {  	p0 =	seq.s32 s10, $0x1;
	s10 =	sld [smem:$0x3FB8];
	_ =	sdelay $0x3  }
0x34: {  	[smem:$0x3FB8] =	sst s10  }
0x35: {  	s10 =	sld [smem:$0x3FB7];
	_ =	sdelay $0x3  }
0x36: {  	p1 =	seq.s32 s10, $0x1;
	s10 =	sld [smem:$0x3FB8];
	_ =	sdelay $0x3  }
0x37: {  	[smem:$0x3FB8] =	sst s10  }
0x38: {  	s10 =	sld [smem:$0x3FB9]  }
0x39: {  	_ = 	snop;
	(pc) =	sbr.ind lr, $3  }
0x3a: {  	_ = 	snop  }
0x3b: {  	_ = 	snop  }
0x3c: {  	p2 =	seq.s32 s10, $0x1;
	s10 =	sld [smem:$0x3FB8]  }
0x3d: {  	_ =	shalt  }
0x3e: {  	_ =	shalt  }
0x3f: {  	_ =	shalt  }
0x40: {  	_ =	shalt  }
0x41: {  	_ =	shalt  }
0x42: {  	_ =	shalt  }
0x43: {  	_ =	shalt  }
0x44: {  	_ =	shalt  }
0x45: {  	_ =	shalt  }
0x46: {  	_ =	shalt  }
0x47: {  	_ =	shalt  }
0x48: {  	_ =	shalt  }
0x49: {  	_ =	shalt  }
0x4a: {  	_ =	shalt  }
0x4b: {  	_ =	shalt  }
0x4c: {  	_ =	shalt  }
0x4d: {  	_ =	shalt  }
0x4e: {  	_ =	shalt  }
0x4f: {  	_ =	shalt  }
0x50: {  	_ =	shalt  }
0x51: {  	_ =	shalt  }
0x52: {  	_ =	shalt  }
0x53: {  	_ =	shalt  }
0x54: {  	_ =	shalt  }
0x55: {  	_ =	shalt  }
0x56: {  	_ =	shalt  }
0x57: {  	_ =	shalt  }
0x58: {  	_ =	shalt  }
0x59: {  	_ =	shalt  }
0x5a: {  	_ =	shalt  }
0x5b: {  	_ =	shalt  }
0x5c: {  	_ =	shalt  }
0x5d: {  	_ =	shalt  }
0x5e: {  	_ =	shalt  }
0x5f: {  	_ =	shalt  }
0x60: {  	_ =	shalt  }
0x61: {  	_ =	shalt  }
0x62: {  	_ =	shalt  }
0x63: {  	_ =	shalt  }
0x64: {  	_ =	shalt  }
0x65: {  	_ =	shalt  }
0x66: {  	_ =	shalt  }
0x67: {  	_ =	shalt  }
0x68: {  	_ =	shalt  }
0x69: {  	_ =	shalt  }
0x6a: {  	_ =	shalt  }
0x6b: {  	_ =	shalt  }
0x6c: {  	_ =	shalt  }
0x6d: {  	_ =	shalt  }
0x6e: {  	_ =	shalt  }
0x6f: {  	_ =	shalt  }
0x70: {  	_ =	shalt  }
0x71: {  	_ =	shalt  }
0x72: {  	_ =	shalt  }
0x73: {  	_ =	shalt  }
0x74: {  	_ =	shalt  }
0x75: {  	_ =	shalt  }
0x76: {  	_ =	shalt  }
0x77: {  	_ =	shalt  }
0x78: {  	_ =	shalt  }
0x79: {  	_ =	shalt  }
0x7a: {  	_ =	shalt  }
0x7b: {  	_ =	shalt  }
0x7c: {  	_ =	shalt  }
0x7d: {  	_ =	shalt  }
0x7e: {  	_ =	shalt  }
0x7f: {  	_ =	shalt  }
0x80: {  	_ =	shalt  }
0x81: {  	_ =	shalt  }
0x82: {  	_ =	shalt  }
0x83: {  	_ =	shalt  }
0x84: {  	_ =	shalt  }
0x85: {  	_ =	shalt  }
0x86: {  	_ =	shalt  }
0x87: {  	_ =	shalt  }
.Lfunc_end0:
.L_simem_size_0:
called_computation_lowered:
.L_overlay_start_0:
0x88: {  	s2 =	sld [smem:$0x3FD9]  }
0x89: {  	s3 =	sld [smem:$0x3FFE];
	_ =	sdelay $0x1  }
0x8a: {  	s1 =	srdreg.scid  }
0x8b: {  	s0 =	sand.u32 $0x1, s1  }
0x8c: {  	s17 =	sshll.u32 s0, $0xA;
	s2 =	sadd.s32 s3, s2  }
0x8d: {  	s2 =	sadd.s32 s2, s17  }
0x8e: {  	[smem:$0x3FC4] =	sst s2  }
0x8f: {  	_ = 	snop  }
0x90: {  	s2 =	sld [smem:$0x3FC8]  }
0x91: {  	s18 =	sld [smem:$0x3FC6]  }
0x92: {  	s4 =	sld [smem:$0x3FD0];
	(tm) =	ssettm $0x1  }
0x93: {  	s5 =	sld [smem:$0x3FFB];
	_ =	sdelay $0x3  }
0x94: {  	_ =	strace s5  }
0x95: {  	s5 =	sld [smem:$0x3FFC];
	_ =	sdelay $0x3  }
0x96: {  	_ =	strace s5  }
0x97: {  	s5 =	sld [smem:$0x3FFD];
	_ =	sdelay $0x3  }
0x98: {  	_ =	strace s5  }
0x99: {  	_ =	strace $0x8FFFFFFF  }
0x9a: {  	s19 =	sld [smem:$0x3FDB];
	_ =	sdelay $0x1  }
0x9b: {  	s6 =	simm.s32 $_scs_section_size  }
0x9c: {  	s7 =	simm.s32 $_size__tile_overlayer_lowered;
	s8 =	simm.s32 $_tile_overlayer_lowered  }
0x9d: {  	s22 =	simm.s32 $0x1BFF;
	s21 =	sshll.u32 s8, $0x1;
	s5 =	sadd.s32 s6, s19  }
0x9e: {  	s9 =	simm.s32 $0x0;
	s20 =	sshll.u32 s7, $0x1;
	s7 =	sadd.s32 s21, s5  }
0x9f: {  	[timem:s9], [sflag:s22] =	dma.local [hbm:s7], s20  }
0xa0: {  	_ =	swait.ge [sflag:s22], s20  }
0xa1: {  	s6 =	ssub.s32 $0x0, s20;
	[sflag:s22] =	ssyncset.done $0x0  }
0xa2: {  	[sflag:s22] =	ssyncadd.s32 s6;
	_ =	sdelay $0x1  }
0xa3: {  	s23 =	simm.s32 $0x1B8B  }
0xa4: {  	_ =	swait.ge [sflag:s23], $0x1  }
0xa5: {  	[sflag:s23] =	ssyncset.done $0x0  }
0xa6: {  	s25 =	simm.s32 $0x1B8E;
	s24 =	sld [smem:$0x3FFE];
	[sflag:s23] =	ssyncadd.s32 $0xFFFFFFFF  }
0xa7: {  	s26 =	simm.s32 $execute0_lowered;
	[smem:$0x3FD2] =	sst s25  }
0xa8: {  	s7 =	sshll.u32 s26, $0x1;
	_ =	strace $0x80000046;
	[dreg:$0x1] =	wrdreg $0xFFFFFFFF  }
0xa9: {  	s28 =	simm.s32 $_size_execute0_lowered;
	s5 =	sadd.s32 s5, s7;
	[dreg:$0x0] =	wrdreg $0x0  }
0xaa: {  	s7 =	sshll.u32 s28, $0x1;
	[dreg:$0x2] =	wrdreg s5  }
0xab: {  	[dreg:$0x3] =	wrdreg s7  }
0xac: {  	[dreg:$0x4] =	wrdreg $0xC0  }
0xad: {  	_ =	task [dreg:s9], $0x5FFFF  }
0xae: {  	[dreg:$0x1] =	wrdreg $0xFFFFFFFF  }
0xaf: {  	[dreg:$0x0] =	wrdreg $0x60  }
0xb0: {  	[dreg:$0x2] =	wrdreg s2  }
0xb1: {  	[dreg:$0x3] =	wrdreg s24  }
0xb2: {  	[dreg:$0x4] =	wrdreg s18  }
0xb3: {  	[dreg:$0x5] =	wrdreg s4  }
0xb4: {  	[dreg:$0x6] =	wrdreg $0x9  }
0xb5: {  	_ =	task.clear_ibuf [dreg:s9], $0x7FFFF;
	_ =	strace $0x90000046  }
0xb6: {  	s29 =	simm.s32 $0x9;
	_ =	strace $0x80000048  }
0xb7: {  	_ =	swait.ge [sflag:s29], $0x1  }
0xb8: {  	[sflag:s29] =	ssyncadd.s32 $0xFFFFFFFF  }
0xb9: {  	_ =	strace $0x90000048  }
0xba: {  	_ =	sfence  }
0xbb: {  	s30 =	sld [smem:$0x0];
	_ =	sdelay $0x2  }
0xbc: {  	s31 =	sshll.u32 s1, $0xD;
	s1 =	sshrl.u32 s1, $0x2  }
0xbd: {  	s3 =	sand.u32 $0x4000, s31;
	s1 =	sadd.s32 s1, s30  }
0xbe: {  	s0 =	sor.u32 s3, s0;
	s1 =	sshll.u32 s1, $0x11  }
0xbf: {  	s0 =	sor.u32 s1, s0  }
0xc0: {  	s0 =	sadd.s32 $0x8F2B, s0  }
0xc1: {  	[sflag:s0] =	ssyncadd.remote.s32 $0x1  }
0xc2: {  	_ =	sfence.sel $0xFFFF  }
0xc3: {  	[dreg:$0x0] =	wrdreg $0xFFFFFFFF;
	(pc) =	sbr.abs _section_cstart, $3  }
0xc4: {  	[dreg:$0x1] =	wrdreg $0xFFFFFFFF  }
0xc5: {  	_ =	task.clear_ibuf [dreg:s9], $0x2FFFF;
	_ =	strace $0x9FFFFFFF  }
0xc6: {  	(tm) =	ssettm $0x7FFFFFFF  }
0xc7: {  	_ =	shalt  }
tec
execute0_lowered:
.L_overlay_start_1:
0x0: {  	(tag) =	ssettag $0x1  }
0x1: {  	s1 =	rddreg [dreg:$0x0]  }
0x2: {  	s5 =	rddreg [dreg:$0x1]  }
0x3: {  	s2 =	srdreg.scid;
	s3 =	rddreg [dreg:$0x2]  }
0x4: {  	s0 =	stileid.u32;
	s7 =	rddreg [dreg:$0x3]  }
0x5: {  	s4 =	simm.s32 $0x0;
	s15 =	simm.s32 $0x0;
	s9 =	smul.u32 $0x8800, s0  }
0x6: {  	s6 =	sand.u32 $0x1, s2;
	s31 =	sshll.u32 s0, $0x1;
	s10 =	smul.u32 $0x110, s0  }
0x7: {  	[smem:$0x7FF] =	sst s4;
	s5 =	sadd.s32 $0x600, s5;
	s12 =	smul.u32 $0x88, s6  }
0x8: {  	s2 =	sor.u32 s6, s31;
	s11 =	ssub.s32 $0x2, s6;
	s14 =	smul.u32 $0x4400, s6  }
0x9: {  	s8 =	smul.u32 $0x880, s2;
	s2 =	rddreg [dreg:$0x4];
	s13 =	sshrl.u32 s11, $0x1  }
0xa: {  	_ =	strace $0x80000047;
	s11 =	ssub.s32 s11, s13;
	s10 =	sadd.s32 s12, s10  }
0xb: {  	s12 =	simm.s32 $0x1;
	s13 =	simm.s32 $0x5500;
	s6 =	sadd.s32 s7, s8  }
0xc: {  	s7 =	smax.u32 s11, $0x1;
	s8 =	sadd.s32 s14, s9;
	s9 =	sadd.s32 $0xFFFFFF80, s10  }
0xd: {  	s10 =	simm.s32 $0x4000;
	s11 =	simm.s32 $0x5400;
	s14 =	simm.s32 $0x2  }
.LBB2_1:
0xe: {  	[tilespmem:s4], [sflag:$0x1] =	stream.linear.gather [hbm4b:s1+s4], $0x4000, $0x38;
	[tilespmem:$0x9900] =	vst v63  }
0xf: {  	_ = 	snop  }
0x10: {  	[tilespmem:s10], [sflag:$0x1] =	stream.linear.gather [hbm4b:s5+s4], $0x1080, $0x38;
	[tilespmem:$0x9900] =	vst v63  }
0x11: {  	_ = 	snop  }
0x12: {  	[tilespmem:s11], [sflag:$0x1] =	stream.linear.gather [hbm4b:s3+s4], $0x100, $0x38;
	[tilespmem:$0x9900] =	vst v63  }
0x13: {  	_ =	swait.ge [sflag:s12], $0x4000  }
0x14: {  	[sflag:s12] =	ssyncset.done $0x0  }
0x15: {  	[sflag:s12] =	ssyncadd.s32 $0xFFFFC000  }
0x16: {  	s16 =	sshra.s32 s9, $0x5;
	_ =	swait.ge [sflag:s12], $0x1080  }
0x17: {  	s17 =	sadd.s32 $0x80, s9;
	p0 =	slt.s32 s16, $0x7F;
	[sflag:s12] =	ssyncset.done $0x0  }
0x18: {  	p1 =	slt.u32 s17, s9;
	s16 =	simm.s32 @!p0 $0x7F;
	[sflag:s12] =	ssyncadd.s32 $0xFFFFEF80  }
0x19: {  	s16 =	smov.u32 @p1 s17;
	_ =	swait.ge [sflag:s12], $0x100  }
0x1a: {  	s31 =	sadd.s32 $0x0, s8;
	s16 =	sshll.u32 s16, $0x9;
	[sflag:s12] =	ssyncset.done $0x0  }
0x1b: {  	s18 =	sand.u32 $0xF80, s31;
	s19 =	sshra.s32 s16, $0x2;
	[sflag:s12] =	ssyncadd.s32 $0xFFFFFF00  }
0x1c: {  	s18 =	simm.s32 @p1 $0x1000;
	v0 =	vld [tilespmem:s19+$0x0]  }
0x1d: {  	s17 =	simm.s32 $0x0;
	v1 =	vld [tilespmem:s18+$0x4000]  }
0x1e: {  	s17 =	simm.s32 @!p1 $0x80  }
0x1f: {  	v2 =	vld [tilespmem:s17+$0x5400];
	_ =	sdelay $0x2  }
0x20: {  	v0 =	vadd.f32 v1, v0;
	_ =	sdelay $0x1  }
0x21: {  	v0 =	vadd.f32 v2, v0  }
0x22: {  	s16 =	simm.s32 $0x5540  }
0x23: {  	[tilespmem:s16+$0xFFFFFFC0] =	vst v0  }
0x24: {  	v0 =	vld [tilespmem:s19+$0x10]  }
0x25: {  	v1 =	vld [tilespmem:s18+$0x4010];
	_ =	sdelay $0x1  }
0x26: {  	v2 =	vld [tilespmem:s17+$0x5410];
	_ =	sdelay $0x2  }
0x27: {  	v0 =	vadd.f32 v1, v0;
	_ =	sdelay $0x1  }
0x28: {  	v0 =	vadd.f32 v2, v0;
	_ =	sdelay $0x1  }
0x29: {  	[tilespmem:s16+$0xFFFFFFD0] =	vst v0  }
0x2a: {  	v0 =	vld [tilespmem:s19+$0x20]  }
0x2b: {  	v1 =	vld [tilespmem:s18+$0x4020];
	_ =	sdelay $0x1  }
0x2c: {  	v2 =	vld [tilespmem:s17+$0x5420];
	_ =	sdelay $0x2  }
0x2d: {  	v0 =	vadd.f32 v1, v0;
	_ =	sdelay $0x1  }
0x2e: {  	v0 =	vadd.f32 v2, v0;
	_ =	sdelay $0x1  }
0x2f: {  	[tilespmem:s16+$0xFFFFFFE0] =	vst v0  }
0x30: {  	v0 =	vld [tilespmem:s19+$0x30]  }
0x31: {  	v1 =	vld [tilespmem:s18+$0x4030];
	_ =	sdelay $0x1  }
0x32: {  	v2 =	vld [tilespmem:s17+$0x5430];
	_ =	sdelay $0x2  }
0x33: {  	v0 =	vadd.f32 v1, v0;
	_ =	sdelay $0x1  }
0x34: {  	v0 =	vadd.f32 v2, v0;
	_ =	sdelay $0x1  }
0x35: {  	[tilespmem:s16+$0xFFFFFFF0] =	vst v0  }
0x36: {  	v0 =	vld [tilespmem:s19+$0x40]  }
0x37: {  	v1 =	vld [tilespmem:s18+$0x4040];
	_ =	sdelay $0x1  }
0x38: {  	v2 =	vld [tilespmem:s17+$0x5440];
	_ =	sdelay $0x2  }
0x39: {  	v0 =	vadd.f32 v1, v0;
	_ =	sdelay $0x1  }
0x3a: {  	v0 =	vadd.f32 v2, v0;
	_ =	sdelay $0x1  }
0x3b: {  	[tilespmem:s16+$0x0] =	vst v0  }
0x3c: {  	v0 =	vld [tilespmem:s19+$0x50]  }
0x3d: {  	v1 =	vld [tilespmem:s18+$0x4050];
	_ =	sdelay $0x1  }
0x3e: {  	v2 =	vld [tilespmem:s17+$0x5450];
	_ =	sdelay $0x2  }
0x3f: {  	v0 =	vadd.f32 v1, v0;
	_ =	sdelay $0x1  }
0x40: {  	v0 =	vadd.f32 v2, v0;
	_ =	sdelay $0x1  }
0x41: {  	[tilespmem:s16+$0x10] =	vst v0  }
0x42: {  	v0 =	vld [tilespmem:s19+$0x60]  }
0x43: {  	v1 =	vld [tilespmem:s18+$0x4060];
	_ =	sdelay $0x1  }
0x44: {  	v2 =	vld [tilespmem:s17+$0x5460];
	_ =	sdelay $0x2  }
0x45: {  	v0 =	vadd.f32 v1, v0;
	_ =	sdelay $0x1  }
0x46: {  	v0 =	vadd.f32 v2, v0;
	_ =	sdelay $0x1  }
0x47: {  	[tilespmem:s16+$0x20] =	vst v0  }
0x48: {  	v0 =	vld [tilespmem:s19+$0x70]  }
0x49: {  	s20 =	smov.u32 s9;
	s19 =	simm.s32 $0x80;
	v1 =	vld [tilespmem:s18+$0x4070];
	s18 =	simm.s32 $0x5540  }
.LBB2_2:
0x4a: {  	p0 =	sne.s32 s19, $0x4380;
	v2 =	vld [tilespmem:s17+$0x5470];
	s20 =	sadd.s32 $0x1, s20;
	s16 =	sadd.s32 $0x80, s16  }
0x4b: {  	s17 =	smov.u32 s19;
	s19 =	sadd.s32 $0x80, s19;
	_ =	sdelay $0x1  }
0x4c: {  	s22 =	sshra.s32 s20, $0x5  }
0x4d: {  	s21 =	sadd.s32 $0x80, s20;
	p2 =	slt.s32 s22, $0x7F;
	v0 =	vadd.f32 v1, v0  }
0x4e: {  	s17 =	sadd.s32 s17, s8;
	p1 =	slt.u32 s21, s20;
	s22 =	simm.s32 @!p2 $0x7F  }
0x4f: {  	s22 =	smov.u32 @p1 s21;
	s21 =	sand.u32 $0xF80, s17;
	v0 =	vadd.f32 v2, v0  }
0x50: {  	s17 =	sshll.u32 s22, $0x9;
	s21 =	simm.s32 @p1 $0x1000  }
0x51: {  	s22 =	sshra.s32 s17, $0x2;
	[tilespmem:s18+$0x30] =	vst v0;
	s18 =	smov.u32 s16  }
0x52: {  	s17 =	simm.s32 $0x0;
	v0 =	vld [tilespmem:s22+$0x0]  }
0x53: {  	s17 =	simm.s32 @!p1 $0x80;
	v1 =	vld [tilespmem:s21+$0x4000]  }
0x54: {  	v2 =	vld [tilespmem:s17+$0x5400];
	_ =	sdelay $0x3  }
0x55: {  	v0 =	vadd.f32 v1, v0;
	_ =	sdelay $0x1  }
0x56: {  	v0 =	vadd.f32 v2, v0;
	_ =	sdelay $0x1  }
0x57: {  	[tilespmem:s16+$0xFFFFFFC0] =	vst v0  }
0x58: {  	v0 =	vld [tilespmem:s22+$0x10]  }
0x59: {  	v1 =	vld [tilespmem:s21+$0x4010];
	_ =	sdelay $0x1  }
0x5a: {  	v2 =	vld [tilespmem:s17+$0x5410];
	_ =	sdelay $0x2  }
0x5b: {  	v0 =	vadd.f32 v1, v0;
	_ =	sdelay $0x1  }
0x5c: {  	v0 =	vadd.f32 v2, v0;
	_ =	sdelay $0x1  }
0x5d: {  	[tilespmem:s16+$0xFFFFFFD0] =	vst v0  }
0x5e: {  	v0 =	vld [tilespmem:s22+$0x20]  }
0x5f: {  	v1 =	vld [tilespmem:s21+$0x4020];
	_ =	sdelay $0x1  }
0x60: {  	v2 =	vld [tilespmem:s17+$0x5420];
	_ =	sdelay $0x2  }
0x61: {  	v0 =	vadd.f32 v1, v0;
	_ =	sdelay $0x1  }
0x62: {  	v0 =	vadd.f32 v2, v0;
	_ =	sdelay $0x1  }
0x63: {  	[tilespmem:s16+$0xFFFFFFE0] =	vst v0  }
0x64: {  	v0 =	vld [tilespmem:s22+$0x30]  }
0x65: {  	v1 =	vld [tilespmem:s21+$0x4030]  }
0x66: {  	v2 =	vld [tilespmem:s17+$0x5430];
	_ =	sdelay $0x3  }
0x67: {  	v0 =	vadd.f32 v1, v0;
	_ =	sdelay $0x1  }
0x68: {  	v0 =	vadd.f32 v2, v0;
	_ =	sdelay $0x1  }
0x69: {  	[tilespmem:s16+$0xFFFFFFF0] =	vst v0  }
0x6a: {  	v0 =	vld [tilespmem:s22+$0x40]  }
0x6b: {  	v1 =	vld [tilespmem:s21+$0x4040];
	_ =	sdelay $0x1  }
0x6c: {  	v2 =	vld [tilespmem:s17+$0x5440];
	_ =	sdelay $0x2  }
0x6d: {  	v0 =	vadd.f32 v1, v0;
	_ =	sdelay $0x1  }
0x6e: {  	v0 =	vadd.f32 v2, v0;
	_ =	sdelay $0x1  }
0x6f: {  	[tilespmem:s16+$0x0] =	vst v0  }
0x70: {  	v0 =	vld [tilespmem:s22+$0x50]  }
0x71: {  	v1 =	vld [tilespmem:s21+$0x4050]  }
0x72: {  	v2 =	vld [tilespmem:s17+$0x5450];
	_ =	sdelay $0x3  }
0x73: {  	v0 =	vadd.f32 v1, v0;
	_ =	sdelay $0x1  }
0x74: {  	v0 =	vadd.f32 v2, v0;
	_ =	sdelay $0x1  }
0x75: {  	[tilespmem:s16+$0x10] =	vst v0  }
0x76: {  	v0 =	vld [tilespmem:s22+$0x60]  }
0x77: {  	v1 =	vld [tilespmem:s21+$0x4060]  }
0x78: {  	v2 =	vld [tilespmem:s17+$0x5460];
	_ =	sdelay $0x3  }
0x79: {  	v0 =	vadd.f32 v1, v0;
	_ =	sdelay $0x1  }
.Ltmp0:
0x7a: {  	v0 =	vadd.f32 v2, v0;
	(pc) =	sbr.rel @p0 .LBB2_2-.Ltmp0, $4  }
0x7b: {  	_ = 	snop  }
0x7c: {  	[tilespmem:s16+$0x20] =	vst v0  }
0x7d: {  	v0 =	vld [tilespmem:s22+$0x70]  }
0x7e: {  	v1 =	vld [tilespmem:s21+$0x4070]  }
0x7f: {  	_ = 	snop  }
0x80: {  	v2 =	vld [tilespmem:s17+$0x5470];
	_ =	sdelay $0x2  }
0x81: {  	v0 =	vadd.f32 v1, v0;
	_ =	sdelay $0x1  }
0x82: {  	s15 =	sadd.s32 $0x1, s15;
	v0 =	vadd.f32 v2, v0  }
0x83: {  	p0 =	sne.s32 s15, s7  }
.Ltmp1:
0x84: {  	[tilespmem:s18+$0x30] =	vst v0;
	(pc) =	sbr.rel @p0 .LBB2_1-.Ltmp1, $4  }
0x85: {  	[hbm4b:s6+s4] =	stream.linear.scatter [tilespmem:s13], [sflag:$0x2], $0x4400, $0x38;
	[tilespmem:$0x9900] =	vst v63  }
0x86: {  	_ =	swait.ge [sflag:s14], $0x4400  }
0x87: {  	[sflag:s14] =	ssyncset.done $0x0  }
0x88: {  	[sflag:s14] =	ssyncadd.s32 $0xFFFFBC00  }
0x89: {  	_ =	sfence.sel $0x180000  }
0x8a: {  	[bflag:$0x0] =	sbarrier.arrive $0xFFFF  }
0x8b: {  	p0 =	sne.s32 s0, $0x0;
	_ =	strace $0x90000047  }
0x8c: {  	s0 =	sadd.s32 @!p0 $0x100000, s2;
	[bflag:$0x2] =	sbarrier.arrive $0xFFFF  }
0x8d: {  	[sflag:s0] =	ssyncadd.tile.s32 @!p0 $0x1;
	_ =	shalt  }
.Lfunc_end2:
_tile_overlayer_lowered:
.L_overlay_start_2:
0x8e: {  	(tag) =	ssettag $0x2  }
0x8f: {  	s0 =	rddreg [dreg:$0x0];
	s2 =	stileid.u32  }
0x90: {  	s1 =	rddreg [dreg:$0x1];
	p0 =	sne.s32 s2, $0x0  }
0x91: {  	s3 =	rddreg [dreg:$0x2];
	[bflag:$0x3] =	sbarrier.arrive $0xFFFF;
	s2 =	simm.s32 @!p0 $0x1C02  }
0x92: {  	[timem:s3], [sflag:s2] =	dma.local @!p0 [hbm:s0], s1  }
0x93: {  	s0 =	simm.s32 @!p0 $0x2  }
0x94: {  	_ =	swait.ge @!p0 [sflag:s0], s1  }
0x95: {  	s1 =	ssub.s32 @!p0 $0x0, s1;
	[sflag:s0] =	ssyncset.done @!p0 $0x0  }
0x96: {  	[sflag:s0] =	ssyncadd.s32 @!p0 s1  }
0x97: {  	[bflag:$0x3] =	sbarrier.arrive $0xFFFF  }
0x98: {  	_ =	shalt  }

</sc_bundles>
